<compile_context>
chip_gen: v7x
topology: tpu7x:2x2x1
jax: 0.10.2.dev20260603
libtpu: 0.0.44.dev20260713+nightly
codegen_flags: <defaults>
</compile_context>

<pallas_src>
import functools

import jax
import jax.numpy as jnp
from jax import lax
from jax.experimental import pallas as pl
from jax.experimental.pallas import tpu as pltpu
from jax.experimental.pallas import tpu_sc as plsc

F = 26
B = 4096
V = 100000
D = 32
NC = 13
FD = F * D
NT1 = F * (V + 1)
VB = 2048
NQ = 49
VP = NQ * VB
NT2 = F * VP

NW = 32
ROWS = F * B
RPW = ROWS // NW
CH = 128
NCHUNK = RPW // CH


def _linearize_body(in_ref, out_ref):
    x = in_ref[0]
    eye = jnp.where(
        lax.broadcasted_iota(jnp.int32, (D, D), 0)
        == lax.broadcasted_iota(jnp.int32, (D, D), 1),
        1.0, 0.0).astype(jnp.float32)
    xt = lax.dot_general(x, eye, (((0,), (0,)), ((), ())),
                         preferred_element_type=jnp.float32)
    xt3 = xt.reshape(VB // 4, 4, D)
    out_ref[...] = jnp.concatenate([xt3[:, j, :] for j in range(4)], axis=1)


def _linearize(w2t):
    return pl.pallas_call(
        _linearize_body,
        grid=(F, NQ),
        in_specs=[pl.BlockSpec((1, D, VB), lambda f, q: (f, 0, q))],
        out_specs=pl.BlockSpec((VB * D // 128, 128), lambda f, q: (f * NQ + q, 0)),
        out_shape=jax.ShapeDtypeStruct((NT2 * D // 128, 128), jnp.float32),
        compiler_params=pltpu.CompilerParams(
            dimension_semantics=("parallel", "parallel")),
    )(w2t)


def _sc_gather(w2f, w1f, idx2, idx1):
    mesh = plsc.VectorSubcoreMesh(core_axis_name="c", subcore_axis_name="s")

    @functools.partial(
        pl.kernel,
        out_type=[
            jax.ShapeDtypeStruct((NW, RPW, D), jnp.float32),
            jax.ShapeDtypeStruct((NW, NCHUNK, CH), jnp.float32),
        ],
        mesh=mesh,
        compiler_params=pltpu.CompilerParams(use_tc_tiling_on_sc=False),
        scratch_types=[
            pltpu.VMEM((NCHUNK, CH), jnp.int32),
            pltpu.VMEM((NCHUNK, CH), jnp.int32),
            pltpu.VMEM((RPW, D), jnp.float32),
            pltpu.VMEM((NCHUNK, CH), jnp.float32),
            pltpu.SemaphoreType.DMA,
            pltpu.SemaphoreType.DMA,
        ],
    )
    def k(w2_hbm, w1_hbm, i2_hbm, i1_hbm, emb_out, fo1_out,
          i2_v, i1_v, emb_v, fo1_v, s2, s1):
        wid = lax.axis_index("s") * 2 + lax.axis_index("c")
        pltpu.sync_copy(i2_hbm.at[wid], i2_v)
        pltpu.sync_copy(i1_hbm.at[wid], i1_v)

        def fire(i, carry):
            pltpu.async_copy(w2_hbm.at[i2_v.at[i]], emb_v.at[pl.ds(i * CH, CH)], s2)
            pltpu.async_copy(w1_hbm.at[i1_v.at[i]], fo1_v.at[i], s1)
            return carry

        lax.fori_loop(0, NCHUNK, fire, 0)
        pltpu.make_async_copy(w2_hbm.at[pl.ds(0, RPW)], emb_v, s2).wait()

        def drain1(i, carry):
            pltpu.make_async_copy(w1_hbm.at[pl.ds(0, CH)], fo1_v.at[0], s1).wait()
            return carry

        lax.fori_loop(0, NCHUNK, drain1, 0)

        pltpu.sync_copy(emb_v, emb_out.at[wid])
        pltpu.sync_copy(fo1_v, fo1_out.at[wid])

    return k(w2f, w1f, idx2, idx1)


def _dense_body(emb_ref, fo1_ref, num_ref, fm1w_ref, fm1b_ref,
                w0a_ref, w0b_ref, b0_ref, g0_ref, be0_ref,
                w1_ref, b1_ref, g1_ref, be1_ref,
                w2_ref, b2_ref, g2_ref, be2_ref,
                ow_ref, ob_ref, out_ref):
    emb = emb_ref[...]
    num = num_ref[...]
    fo1 = fo1_ref[...]
    fm1w = fm1w_ref[...]

    fm1 = (jnp.sum(fo1 * fm1w[:, :F], axis=1, keepdims=True)
           + jnp.sum(num * fm1w[:, F:], axis=1, keepdims=True)
           + fm1b_ref[...])

    r = lax.broadcasted_iota(jnp.int32, (FD, D), 0)
    c = lax.broadcasted_iota(jnp.int32, (FD, D), 1)
    sel = jnp.where(r % D == c, 1.0, 0.0).astype(jnp.float32)
    sum_e = jnp.dot(emb, sel, preferred_element_type=jnp.float32)
    sum_sq = jnp.sum(sum_e * sum_e, axis=1, keepdims=True)
    sq_sum = jnp.sum(emb * emb, axis=1, keepdims=True)
    fm2 = 0.5 * (sum_sq - sq_sum)

    def layer(x_list, w_list, bias, g, be):
        h = bias
        for x, w in zip(x_list, w_list):
            h = h + jnp.dot(x, w, preferred_element_type=jnp.float32)
        mu = jnp.mean(h, axis=0, keepdims=True)
        var = jnp.mean((h - mu) * (h - mu), axis=0, keepdims=True)
        h = (h - mu) * lax.rsqrt(var + 1e-5) * g + be
        return jnp.maximum(h, 0.0)

    h0 = layer([emb, num], [w0a_ref[...], w0b_ref[...]], b0_ref[...], g0_ref[...], be0_ref[...])
    h1 = layer([h0], [w1_ref[...]], b1_ref[...], g1_ref[...], be1_ref[...])
    h2 = layer([h1], [w2_ref[...]], b2_ref[...], g2_ref[...], be2_ref[...])

    deep = jnp.dot(h2, ow_ref[...], preferred_element_type=jnp.float32) + ob_ref[...]
    out_ref[...] = jax.nn.sigmoid(fm1 + fm2 + deep)


def _dense(emb, fo1, num_fea, fm1_W, fm1_b,
           DW0, Db0, G0, Be0, DW1, Db1, G1, Be1, DW2, Db2, G2, Be2, OW, Ob):
    row2 = lambda v: v.reshape(1, -1)
    return pl.pallas_call(
        _dense_body,
        out_shape=jax.ShapeDtypeStruct((B, 1), jnp.float32),
        compiler_params=pltpu.CompilerParams(vmem_limit_bytes=120 * 1024 * 1024),
    )(emb, fo1, num_fea, fm1_W, row2(fm1_b),
      DW0[:, :FD].T, DW0[:, FD:].T, row2(Db0), row2(G0), row2(Be0),
      DW1.T, row2(Db1), row2(G1), row2(Be1),
      DW2.T, row2(Db2), row2(G2), row2(Be2),
      OW.T, row2(Ob))


def kernel(cat_fea, num_fea, W1, W2, fm1_W, fm1_b,
           DW0, Db0, G0, Be0, DW1, Db1, G1, Be1, DW2, Db2, G2, Be2, OW, Ob):
    w2t = jnp.transpose(W2, (0, 2, 1))
    w2f = _linearize(w2t).reshape(NT2, D)
    w1f = W1.reshape(NT1)
    ci = cat_fea.astype(jnp.int32)
    offs2 = (jnp.arange(F, dtype=jnp.int32) * VP)[:, None]
    offs1 = (jnp.arange(F, dtype=jnp.int32) * (V + 1))[:, None]
    idx2 = (ci + offs2).T.reshape(NW, NCHUNK, CH)
    idx1 = (ci + offs1).T.reshape(NW, NCHUNK, CH)

    emb_w, fo1_w = _sc_gather(w2f, w1f, idx2, idx1)
    emb = emb_w.reshape(B, FD)
    fo1 = fo1_w.reshape(B, F)

    return _dense(emb, fo1, num_fea, fm1_W, fm1_b,
                  DW0, Db0, G0, Be0, DW1, Db1, G1, Be1,
                  DW2, Db2, G2, Be2, OW, Ob)

# --- scband reference (transcript-rebuilt; emitter-appended) ---
"""Pipeline reference for scband-deep-fmmodel-50689204027721 (READ-ONLY COPY).

The authoritative reference and input builder live on the scoring server;
editing this copy changes nothing except your own understanding.
"""

import jax, jax.numpy as jnp
import numpy as np

F = 26
B = 4096
V = 100000
D = 32
NC = 13
HID = [512, 256, 128]


def setup_inputs(seed: int = 0) -> dict:
    key = jax.random.key(seed)
    ks = jax.random.split(key, 32)
    inp = {}
    inp["cat_fea"] = jax.random.randint(ks[0], (F, B), 0, V)
    inp["num_fea"] = jax.random.normal(ks[1], (B, NC), dtype=jnp.float32)
    inp["W1"] = jax.random.uniform(ks[2], (F, V + 1, 1), dtype=jnp.float32)
    inp["W2"] = jax.random.normal(ks[3], (F, V + 1, D), dtype=jnp.float32) * 0.05
    inp["fm1_W"] = jax.random.normal(ks[4], (1, F + NC), dtype=jnp.float32) * 0.05
    inp["fm1_b"] = jnp.zeros((1,), dtype=jnp.float32)
    dims = [F * D + NC] + HID
    for i in range(3):
        inp["DW%d" % i] = jax.random.normal(ks[5 + 3 * i], (dims[i + 1], dims[i]), dtype=jnp.float32) * (2.0 / dims[i]) ** 0.5
        inp["Db%d" % i] = jnp.zeros((dims[i + 1],), dtype=jnp.float32)
        inp["G%d" % i] = jnp.ones((dims[i + 1],), dtype=jnp.float32)
        inp["Be%d" % i] = jnp.zeros((dims[i + 1],), dtype=jnp.float32)
    inp["OW"] = jax.random.normal(ks[20], (1, HID[-1]), dtype=jnp.float32) * 0.05
    inp["Ob"] = jnp.zeros((1,), dtype=jnp.float32)
    return inp


def reference(cat_fea, num_fea, W1, W2, fm1_W, fm1_b,
              DW0, Db0, G0, Be0, DW1, Db1, G1, Be1, DW2, Db2, G2, Be2,
              OW, Ob):
    # first-order embedding lookups: per-field gather from [V+1, 1] tables
    fo1 = jax.vmap(lambda tab, idx: tab[idx])(W1, cat_fea)  # [F, B, 1]
    fm_1st_fea = jnp.concatenate([fo1[:, :, 0].T, num_fea], axis=1)  # [B, F+NC]
    fm_1st = fm_1st_fea @ fm1_W.T + fm1_b  # [B, 1]
    # second-order embedding lookups: per-field gather from [V+1, D] tables
    emb = jax.vmap(lambda tab, idx: tab[idx])(W2, cat_fea)  # [F, B, D]
    sum_e = jnp.sum(emb, axis=0)  # [B, D]
    sum_sq = jnp.sum(sum_e ** 2, axis=1, keepdims=True)  # [B, 1]
    sq_sum = jnp.sum(emb ** 2, axis=(0, 2))[:, None]  # [B, 1]
    fm_2nd = 0.5 * (sum_sq - sq_sum)
    # deep part (dropout is identity at inference; batchnorm uses batch stats as in train-mode forward)
    deep_fea = jnp.concatenate([jnp.transpose(emb, (1, 0, 2)).reshape(B, F * D), num_fea], axis=1)
    h = deep_fea
    for W, b, g, be in ((DW0, Db0, G0, Be0), (DW1, Db1, G1, Be1), (DW2, Db2, G2, Be2)):
        h = h @ W.T + b
        mu = jnp.mean(h, axis=0)
        var = jnp.var(h, axis=0)
        h = (h - mu) / jnp.sqrt(var + 1e-5) * g + be
        h = jax.nn.relu(h)
    deep = h @ OW.T + Ob
    return jax.nn.sigmoid(fm_1st + fm_2nd + deep)

if __name__ == "__main__":
    import jax
    _d = setup_inputs()
    print(jax.jit(kernel)(*tuple(_d.values())))

</pallas_src>

<mosaic_0001>
#map = affine_map<(d0, d1) -> (0, 0)>
#map1 = affine_map<(d0, d1) -> (0)>
#map2 = affine_map<(d0, d1) -> (0, 0, 0)>
module attributes {stable_mosaic.version = 14 : i64} {
  func.func @k(%arg0: i32, %arg1: i32, %arg2: memref<2609152x32xf32, #tpu.memory_space<hbm>>, %arg3: memref<2600026xf32, #tpu.memory_space<hbm>>, %arg4: memref<32x26x128xi32, #tpu.memory_space<hbm>>, %arg5: memref<32x26x128xi32, #tpu.memory_space<hbm>>, %arg6: memref<32x3328x32xf32, #tpu.memory_space<hbm>>, %arg7: memref<32x26x128xf32, #tpu.memory_space<hbm>>, %arg8: memref<26x128xi32, #tpu.memory_space<vmem>>, %arg9: memref<26x128xi32, #tpu.memory_space<vmem>>, %arg10: memref<3328x32xf32, #tpu.memory_space<vmem>>, %arg11: memref<26x128xf32, #tpu.memory_space<vmem>>, %arg12: memref<!tpu.dma_semaphore, #tpu.memory_space<semaphore_mem>>, %arg13: memref<!tpu.dma_semaphore, #tpu.memory_space<semaphore_mem>>) attributes {dimension_semantics = [#tpu.dimension_semantics<core_parallel>, #tpu.dimension_semantics<subcore_parallel>], iteration_bounds = array<i64: 2, 16>, scalar_prefetch = 0 : i64, scratch_operands = 6 : i64, tpu.core_type = #tpu.core_type<sc_vector_subcore>, window_params = [{transform_indices = #map}, {transform_indices = #map1}, {transform_indices = #map2}, {transform_indices = #map2}, {transform_indices = #map2}, {transform_indices = #map2}]} {
    %mul3A = arith.constant 2 : i32
    %mul3A_0 = arith.muli %arg1, %mul3A : i32
    %add3A = arith.addi %mul3A_0, %arg0 : i32
    "tpu.region"() ({
      %run_scoped3A = tpu.sem_alloc : memref<!tpu.dma_semaphore, #tpu.memory_space<semaphore_mem>>
      %dma_start3A = arith.constant 0 : i32
      %dma_start3A_17 = arith.constant 0 : i32
      %dma_start3A_18 = tpu.memref_slice %arg4[%add3A, %dma_start3A, %dma_start3A_17] : memref<32x26x128xi32, #tpu.memory_space<hbm>> -> memref<1x26x128xi32, #tpu.memory_space<hbm>>
      %dma_start3A_19 = tpu.memref_squeeze %dma_start3A_18 : memref<1x26x128xi32, #tpu.memory_space<hbm>> -> memref<26x128xi32, #tpu.memory_space<hbm>>
      %dma_start3A_20 = arith.constant 0 : i32
      %dma_start3A_21 = arith.constant 0 : i32
      %dma_start3A_22 = tpu.memref_slice %arg4[%add3A, %dma_start3A_20, %dma_start3A_21] : memref<32x26x128xi32, #tpu.memory_space<hbm>> -> memref<1x26x128xi32, #tpu.memory_space<hbm>>
      %dma_start3A_23 = tpu.memref_squeeze %dma_start3A_22 : memref<1x26x128xi32, #tpu.memory_space<hbm>> -> memref<26x128xi32, #tpu.memory_space<hbm>>
      tpu.enqueue_dma source(%dma_start3A_23 : memref<26x128xi32, #tpu.memory_space<hbm>>) target(%arg8 : memref<26x128xi32, #tpu.memory_space<vmem>>) target_semaphore(%run_scoped3A : memref<!tpu.dma_semaphore, #tpu.memory_space<semaphore_mem>>)
      %dma_wait3A_24 = arith.constant 0 : i32
      %dma_wait3A_25 = arith.constant 0 : i32
      %dma_wait3A_26 = tpu.memref_slice %arg4[%add3A, %dma_wait3A_24, %dma_wait3A_25] : memref<32x26x128xi32, #tpu.memory_space<hbm>> -> memref<1x26x128xi32, #tpu.memory_space<hbm>>
      %dma_wait3A_27 = tpu.memref_squeeze %dma_wait3A_26 : memref<1x26x128xi32, #tpu.memory_space<hbm>> -> memref<26x128xi32, #tpu.memory_space<hbm>>
      %dma_wait3A_28 = arith.constant 0 : i32
      %dma_wait3A_29 = arith.constant 0 : i32
      %dma_wait3A_30 = tpu.memref_slice %arg4[%add3A, %dma_wait3A_28, %dma_wait3A_29] : memref<32x26x128xi32, #tpu.memory_space<hbm>> -> memref<1x26x128xi32, #tpu.memory_space<hbm>>
      %dma_wait3A_31 = tpu.memref_squeeze %dma_wait3A_30 : memref<1x26x128xi32, #tpu.memory_space<hbm>> -> memref<26x128xi32, #tpu.memory_space<hbm>>
      tpu.wait_dma2 semaphore(%run_scoped3A : memref<!tpu.dma_semaphore, #tpu.memory_space<semaphore_mem>>) src(%dma_wait3A_31 : memref<26x128xi32, #tpu.memory_space<hbm>>) dst(%arg8 : memref<26x128xi32, #tpu.memory_space<vmem>>)
      tpu.yield
    }) : () -> ()
    "tpu.region"() ({
      %run_scoped3A = tpu.sem_alloc : memref<!tpu.dma_semaphore, #tpu.memory_space<semaphore_mem>>
      %dma_start3A = arith.constant 0 : i32
      %dma_start3A_17 = arith.constant 0 : i32
      %dma_start3A_18 = tpu.memref_slice %arg5[%add3A, %dma_start3A, %dma_start3A_17] : memref<32x26x128xi32, #tpu.memory_space<hbm>> -> memref<1x26x128xi32, #tpu.memory_space<hbm>>
      %dma_start3A_19 = tpu.memref_squeeze %dma_start3A_18 : memref<1x26x128xi32, #tpu.memory_space<hbm>> -> memref<26x128xi32, #tpu.memory_space<hbm>>
      %dma_start3A_20 = arith.constant 0 : i32
      %dma_start3A_21 = arith.constant 0 : i32
      %dma_start3A_22 = tpu.memref_slice %arg5[%add3A, %dma_start3A_20, %dma_start3A_21] : memref<32x26x128xi32, #tpu.memory_space<hbm>> -> memref<1x26x128xi32, #tpu.memory_space<hbm>>
      %dma_start3A_23 = tpu.memref_squeeze %dma_start3A_22 : memref<1x26x128xi32, #tpu.memory_space<hbm>> -> memref<26x128xi32, #tpu.memory_space<hbm>>
      tpu.enqueue_dma source(%dma_start3A_23 : memref<26x128xi32, #tpu.memory_space<hbm>>) target(%arg9 : memref<26x128xi32, #tpu.memory_space<vmem>>) target_semaphore(%run_scoped3A : memref<!tpu.dma_semaphore, #tpu.memory_space<semaphore_mem>>)
      %dma_wait3A_24 = arith.constant 0 : i32
      %dma_wait3A_25 = arith.constant 0 : i32
      %dma_wait3A_26 = tpu.memref_slice %arg5[%add3A, %dma_wait3A_24, %dma_wait3A_25] : memref<32x26x128xi32, #tpu.memory_space<hbm>> -> memref<1x26x128xi32, #tpu.memory_space<hbm>>
      %dma_wait3A_27 = tpu.memref_squeeze %dma_wait3A_26 : memref<1x26x128xi32, #tpu.memory_space<hbm>> -> memref<26x128xi32, #tpu.memory_space<hbm>>
      %dma_wait3A_28 = arith.constant 0 : i32
      %dma_wait3A_29 = arith.constant 0 : i32
      %dma_wait3A_30 = tpu.memref_slice %arg5[%add3A, %dma_wait3A_28, %dma_wait3A_29] : memref<32x26x128xi32, #tpu.memory_space<hbm>> -> memref<1x26x128xi32, #tpu.memory_space<hbm>>
      %dma_wait3A_31 = tpu.memref_squeeze %dma_wait3A_30 : memref<1x26x128xi32, #tpu.memory_space<hbm>> -> memref<26x128xi32, #tpu.memory_space<hbm>>
      tpu.wait_dma2 semaphore(%run_scoped3A : memref<!tpu.dma_semaphore, #tpu.memory_space<semaphore_mem>>) src(%dma_wait3A_31 : memref<26x128xi32, #tpu.memory_space<hbm>>) dst(%arg9 : memref<26x128xi32, #tpu.memory_space<vmem>>)
      tpu.yield
    }) : () -> ()
    %scan3A = arith.constant 0 : i32
    %scan3A_1 = arith.constant 0 : i32
    %scan3A_2 = arith.constant 26 : i32
    %scan3A_3 = arith.addi %scan3A_1, %scan3A_2 : i32
    %scan3A_4 = arith.constant 1 : i32
    scf.for %scan3A_17 = %scan3A_1 to %scan3A_3 step %scan3A_4  : i32 {
      %mul3A_18 = arith.constant 128 : i32
      %mul3A_19 = arith.muli %scan3A_17, %mul3A_18 : i32
      %dma_start3A = arith.constant 0 : i32
      %dma_start3A_20 = tpu.memref_slice %arg10[%mul3A_19, %dma_start3A] : memref<3328x32xf32, #tpu.memory_space<vmem>> -> memref<128x32xf32, #tpu.memory_space<vmem>>
      %dma_start3A_21 = arith.constant 0 : i32
      %dma_start3A_22 = tpu.memref_slice %arg8[%scan3A_17, %dma_start3A_21] : memref<26x128xi32, #tpu.memory_space<vmem>> -> memref<1x128xi32, #tpu.memory_space<vmem>>
      %dma_start3A_23 = tpu.memref_squeeze %dma_start3A_22 : memref<1x128xi32, #tpu.memory_space<vmem>> -> memref<128xi32, #tpu.memory_space<vmem>>
      %dma_start3A_24 = arith.constant 0 : i32
      %dma_start3A_25 = arith.constant 0 : i32
      %dma_start3A_26 = tpu.memref_slice %arg2[%dma_start3A_24, %dma_start3A_25] : memref<2609152x32xf32, #tpu.memory_space<hbm>> -> memref<2609152x32xf32, #tpu.memory_space<hbm>>
      tpu.enqueue_indirect_dma source(%dma_start3A_26 : memref<2609152x32xf32, #tpu.memory_space<hbm>>) target(%dma_start3A_20 : memref<128x32xf32, #tpu.memory_space<vmem>>) offsets(%dma_start3A_23 : memref<128xi32, #tpu.memory_space<vmem>>) semaphore(%arg12 : memref<!tpu.dma_semaphore, #tpu.memory_space<semaphore_mem>>)
      %dma_start3A_27 = arith.constant 0 : i32
      %dma_start3A_28 = tpu.memref_slice %arg11[%scan3A_17, %dma_start3A_27] : memref<26x128xf32, #tpu.memory_space<vmem>> -> memref<1x128xf32, #tpu.memory_space<vmem>>
      %dma_start3A_29 = tpu.memref_squeeze %dma_start3A_28 : memref<1x128xf32, #tpu.memory_space<vmem>> -> memref<128xf32, #tpu.memory_space<vmem>>
      %dma_start3A_30 = arith.constant 0 : i32
      %dma_start3A_31 = tpu.memref_slice %arg9[%scan3A_17, %dma_start3A_30] : memref<26x128xi32, #tpu.memory_space<vmem>> -> memref<1x128xi32, #tpu.memory_space<vmem>>
      %dma_start3A_32 = tpu.memref_squeeze %dma_start3A_31 : memref<1x128xi32, #tpu.memory_space<vmem>> -> memref<128xi32, #tpu.memory_space<vmem>>
      %dma_start3A_33 = arith.constant 0 : i32
      %dma_start3A_34 = tpu.memref_slice %arg3[%dma_start3A_33] : memref<2600026xf32, #tpu.memory_space<hbm>> -> memref<2600026xf32, #tpu.memory_space<hbm>>
      tpu.enqueue_indirect_dma source(%dma_start3A_34 : memref<2600026xf32, #tpu.memory_space<hbm>>) target(%dma_start3A_29 : memref<128xf32, #tpu.memory_space<vmem>>) offsets(%dma_start3A_32 : memref<128xi32, #tpu.memory_space<vmem>>) semaphore(%arg13 : memref<!tpu.dma_semaphore, #tpu.memory_space<semaphore_mem>>)
    }
    %scan3A_5 = arith.constant 26 : i32
    %dma_wait3A = arith.constant 0 : i32
    %dma_wait3A_6 = arith.constant 0 : i32
    %dma_wait3A_7 = tpu.memref_slice %arg2[%dma_wait3A, %dma_wait3A_6] : memref<2609152x32xf32, #tpu.memory_space<hbm>> -> memref<3328x32xf32, #tpu.memory_space<hbm>>
    %dma_wait3A_8 = arith.constant 0 : i32
    %dma_wait3A_9 = arith.constant 0 : i32
    %dma_wait3A_10 = tpu.memref_slice %arg2[%dma_wait3A_8, %dma_wait3A_9] : memref<2609152x32xf32, #tpu.memory_space<hbm>> -> memref<3328x32xf32, #tpu.memory_space<hbm>>
    tpu.wait_dma2 semaphore(%arg12 : memref<!tpu.dma_semaphore, #tpu.memory_space<semaphore_mem>>) src(%dma_wait3A_10 : memref<3328x32xf32, #tpu.memory_space<hbm>>) dst(%arg10 : memref<3328x32xf32, #tpu.memory_space<vmem>>)
    %scan3A_11 = arith.constant 0 : i32
    %scan3A_12 = arith.constant 0 : i32
    %scan3A_13 = arith.constant 26 : i32
    %scan3A_14 = arith.addi %scan3A_12, %scan3A_13 : i32
    %scan3A_15 = arith.constant 1 : i32
    scf.for %scan3A_17 = %scan3A_12 to %scan3A_14 step %scan3A_15  : i32 {
      %dma_wait3A_18 = arith.constant 0 : i32
      %dma_wait3A_19 = arith.constant 0 : i32
      %dma_wait3A_20 = tpu.memref_slice %arg11[%dma_wait3A_18, %dma_wait3A_19] : memref<26x128xf32, #tpu.memory_space<vmem>> -> memref<1x128xf32, #tpu.memory_space<vmem>>
      %dma_wait3A_21 = tpu.memref_squeeze %dma_wait3A_20 : memref<1x128xf32, #tpu.memory_space<vmem>> -> memref<128xf32, #tpu.memory_space<vmem>>
      %dma_wait3A_22 = arith.constant 0 : i32
      %dma_wait3A_23 = tpu.memref_slice %arg3[%dma_wait3A_22] : memref<2600026xf32, #tpu.memory_space<hbm>> -> memref<128xf32, #tpu.memory_space<hbm>>
      %dma_wait3A_24 = arith.constant 0 : i32
      %dma_wait3A_25 = tpu.memref_slice %arg11[%dma_wait3A_18, %dma_wait3A_24] : memref<26x128xf32, #tpu.memory_space<vmem>> -> memref<1x128xf32, #tpu.memory_space<vmem>>
      %dma_wait3A_26 = tpu.memref_squeeze %dma_wait3A_25 : memref<1x128xf32, #tpu.memory_space<vmem>> -> memref<128xf32, #tpu.memory_space<vmem>>
      %dma_wait3A_27 = arith.constant 0 : i32
      %dma_wait3A_28 = tpu.memref_slice %arg3[%dma_wait3A_27] : memref<2600026xf32, #tpu.memory_space<hbm>> -> memref<128xf32, #tpu.memory_space<hbm>>
      tpu.wait_dma2 semaphore(%arg13 : memref<!tpu.dma_semaphore, #tpu.memory_space<semaphore_mem>>) src(%dma_wait3A_28 : memref<128xf32, #tpu.memory_space<hbm>>) dst(%dma_wait3A_26 : memref<128xf32, #tpu.memory_space<vmem>>)
    }
    %scan3A_16 = arith.constant 26 : i32
    "tpu.region"() ({
      %run_scoped3A = tpu.sem_alloc : memref<!tpu.dma_semaphore, #tpu.memory_space<semaphore_mem>>
      %dma_start3A = arith.constant 0 : i32
      %dma_start3A_17 = arith.constant 0 : i32
      %dma_start3A_18 = tpu.memref_slice %arg6[%add3A, %dma_start3A, %dma_start3A_17] : memref<32x3328x32xf32, #tpu.memory_space<hbm>> -> memref<1x3328x32xf32, #tpu.memory_space<hbm>>
      %dma_start3A_19 = tpu.memref_squeeze %dma_start3A_18 : memref<1x3328x32xf32, #tpu.memory_space<hbm>> -> memref<3328x32xf32, #tpu.memory_space<hbm>>
      %dma_start3A_20 = arith.constant 0 : i32
      %dma_start3A_21 = arith.constant 0 : i32
      %dma_start3A_22 = tpu.memref_slice %arg6[%add3A, %dma_start3A_20, %dma_start3A_21] : memref<32x3328x32xf32, #tpu.memory_space<hbm>> -> memref<1x3328x32xf32, #tpu.memory_space<hbm>>
      %dma_start3A_23 = tpu.memref_squeeze %dma_start3A_22 : memref<1x3328x32xf32, #tpu.memory_space<hbm>> -> memref<3328x32xf32, #tpu.memory_space<hbm>>
      tpu.enqueue_dma source(%arg10 : memref<3328x32xf32, #tpu.memory_space<vmem>>) target(%dma_start3A_23 : memref<3328x32xf32, #tpu.memory_space<hbm>>) target_semaphore(%run_scoped3A : memref<!tpu.dma_semaphore, #tpu.memory_space<semaphore_mem>>)
      %dma_wait3A_24 = arith.constant 0 : i32
      %dma_wait3A_25 = arith.constant 0 : i32
      %dma_wait3A_26 = tpu.memref_slice %arg6[%add3A, %dma_wait3A_24, %dma_wait3A_25] : memref<32x3328x32xf32, #tpu.memory_space<hbm>> -> memref<1x3328x32xf32, #tpu.memory_space<hbm>>
      %dma_wait3A_27 = tpu.memref_squeeze %dma_wait3A_26 : memref<1x3328x32xf32, #tpu.memory_space<hbm>> -> memref<3328x32xf32, #tpu.memory_space<hbm>>
      %dma_wait3A_28 = arith.constant 0 : i32
      %dma_wait3A_29 = arith.constant 0 : i32
      %dma_wait3A_30 = tpu.memref_slice %arg6[%add3A, %dma_wait3A_28, %dma_wait3A_29] : memref<32x3328x32xf32, #tpu.memory_space<hbm>> -> memref<1x3328x32xf32, #tpu.memory_space<hbm>>
      %dma_wait3A_31 = tpu.memref_squeeze %dma_wait3A_30 : memref<1x3328x32xf32, #tpu.memory_space<hbm>> -> memref<3328x32xf32, #tpu.memory_space<hbm>>
      tpu.wait_dma2 semaphore(%run_scoped3A : memref<!tpu.dma_semaphore, #tpu.memory_space<semaphore_mem>>) src(%arg10 : memref<3328x32xf32, #tpu.memory_space<vmem>>) dst(%dma_wait3A_31 : memref<3328x32xf32, #tpu.memory_space<hbm>>)
      tpu.yield
    }) : () -> ()
    "tpu.region"() ({
      %run_scoped3A = tpu.sem_alloc : memref<!tpu.dma_semaphore, #tpu.memory_space<semaphore_mem>>
      %dma_start3A = arith.constant 0 : i32
      %dma_start3A_17 = arith.constant 0 : i32
      %dma_start3A_18 = tpu.memref_slice %arg7[%add3A, %dma_start3A, %dma_start3A_17] : memref<32x26x128xf32, #tpu.memory_space<hbm>> -> memref<1x26x128xf32, #tpu.memory_space<hbm>>
      %dma_start3A_19 = tpu.memref_squeeze %dma_start3A_18 : memref<1x26x128xf32, #tpu.memory_space<hbm>> -> memref<26x128xf32, #tpu.memory_space<hbm>>
      %dma_start3A_20 = arith.constant 0 : i32
      %dma_start3A_21 = arith.constant 0 : i32
      %dma_start3A_22 = tpu.memref_slice %arg7[%add3A, %dma_start3A_20, %dma_start3A_21] : memref<32x26x128xf32, #tpu.memory_space<hbm>> -> memref<1x26x128xf32, #tpu.memory_space<hbm>>
      %dma_start3A_23 = tpu.memref_squeeze %dma_start3A_22 : memref<1x26x128xf32, #tpu.memory_space<hbm>> -> memref<26x128xf32, #tpu.memory_space<hbm>>
      tpu.enqueue_dma source(%arg11 : memref<26x128xf32, #tpu.memory_space<vmem>>) target(%dma_start3A_23 : memref<26x128xf32, #tpu.memory_space<hbm>>) target_semaphore(%run_scoped3A : memref<!tpu.dma_semaphore, #tpu.memory_space<semaphore_mem>>)
      %dma_wait3A_24 = arith.constant 0 : i32
      %dma_wait3A_25 = arith.constant 0 : i32
      %dma_wait3A_26 = tpu.memref_slice %arg7[%add3A, %dma_wait3A_24, %dma_wait3A_25] : memref<32x26x128xf32, #tpu.memory_space<hbm>> -> memref<1x26x128xf32, #tpu.memory_space<hbm>>
      %dma_wait3A_27 = tpu.memref_squeeze %dma_wait3A_26 : memref<1x26x128xf32, #tpu.memory_space<hbm>> -> memref<26x128xf32, #tpu.memory_space<hbm>>
      %dma_wait3A_28 = arith.constant 0 : i32
      %dma_wait3A_29 = arith.constant 0 : i32
      %dma_wait3A_30 = tpu.memref_slice %arg7[%add3A, %dma_wait3A_28, %dma_wait3A_29] : memref<32x26x128xf32, #tpu.memory_space<hbm>> -> memref<1x26x128xf32, #tpu.memory_space<hbm>>
      %dma_wait3A_31 = tpu.memref_squeeze %dma_wait3A_30 : memref<1x26x128xf32, #tpu.memory_space<hbm>> -> memref<26x128xf32, #tpu.memory_space<hbm>>
      tpu.wait_dma2 semaphore(%run_scoped3A : memref<!tpu.dma_semaphore, #tpu.memory_space<semaphore_mem>>) src(%arg11 : memref<26x128xf32, #tpu.memory_space<vmem>>) dst(%dma_wait3A_31 : memref<26x128xf32, #tpu.memory_space<hbm>>)
      tpu.yield
    }) : () -> ()
    return
  }
}

module attributes {stable_mosaic.version = 14 : i64} {
  func.func @_linearize_body(%arg0: i32, %arg1: i32, %arg2: memref<1x32x2048xf32, #tpu.memory_space<vmem>>, %arg3: memref<512x128xf32, #tpu.memory_space<vmem>>) attributes {dimension_semantics = [#tpu.dimension_semantics<parallel>, #tpu.dimension_semantics<parallel>], iteration_bounds = array<i64: 26, 49>, scalar_prefetch = 0 : i64, scratch_operands = 0 : i64, tpu.core_type = #tpu.core_type<tc>, window_params = [{transform_indices = @transform_0, window_bounds = array<i64: 1, 32, 2048>}, {transform_indices = @transform_1, window_bounds = array<i64: 512, 128>}]} {
    %get3A = arith.constant 0 : index
    %get3A_0 = arith.constant 0 : index
    %get3A_1 = arith.constant 0 : index
    %get3A_2 = vector.load %arg2[%get3A, %get3A_0, %get3A_1] : memref<1x32x2048xf32, #tpu.memory_space<vmem>>, vector<1x32x2048xf32>
    %get3A_3 = vector.shape_cast %get3A_2 : vector<1x32x2048xf32> to vector<32x2048xf32>
    %iota3A = tpu.iota {dimensions = array<i32: 0>} : vector<32x32xi32>
    %iota3A_4 = tpu.iota {dimensions = array<i32: 1>} : vector<32x32xi32>
    %eq3A = arith.cmpi eq, %iota3A, %iota3A_4 : vector<32x32xi32>
    %jit3A = arith.constant 1.000000e+00 : f32
    %jit3A_5 = arith.constant 0.000000e+00 : f32
    %broadcast_in_dim3A = vector.broadcast %jit3A : f32 to vector<32x32xf32>
    %broadcast_in_dim3A_6 = vector.broadcast %jit3A_5 : f32 to vector<32x32xf32>
    %select_n3A = arith.select %eq3A, %broadcast_in_dim3A, %broadcast_in_dim3A_6 : vector<32x32xi1>, vector<32x32xf32>
    %dot_general3A = arith.constant dense<0.000000e+00> : vector<2048x32xf32>
    %dot_general3A_7 = tpu.matmul %get3A_3, %select_n3A, %dot_general3A {dimension_numbers = #tpu.dot_dimension_numbers<[0], [0], [1], [1], [0, 1, 1, 1], [], []>, transpose_lhs_hint = false} : vector<32x2048xf32>, vector<32x32xf32>, vector<2048x32xf32> -> vector<2048x32xf32>
    %reshape3A = vector.shape_cast %dot_general3A_7 : vector<2048x32xf32> to vector<512x4x32xf32>
    %slice3A = vector.extract_strided_slice %reshape3A {offsets = [0, 0, 0], sizes = [512, 1, 32], strides = [1, 1, 1]} : vector<512x4x32xf32> to vector<512x1x32xf32>
    %squeeze3A = vector.shape_cast %slice3A : vector<512x1x32xf32> to vector<512x32xf32>
    %slice3A_8 = vector.extract_strided_slice %reshape3A {offsets = [0, 1, 0], sizes = [512, 1, 32], strides = [1, 1, 1]} : vector<512x4x32xf32> to vector<512x1x32xf32>
    %squeeze3A_9 = vector.shape_cast %slice3A_8 : vector<512x1x32xf32> to vector<512x32xf32>
    %slice3A_10 = vector.extract_strided_slice %reshape3A {offsets = [0, 2, 0], sizes = [512, 1, 32], strides = [1, 1, 1]} : vector<512x4x32xf32> to vector<512x1x32xf32>
    %squeeze3A_11 = vector.shape_cast %slice3A_10 : vector<512x1x32xf32> to vector<512x32xf32>
    %slice3A_12 = vector.extract_strided_slice %reshape3A {offsets = [0, 3, 0], sizes = [512, 1, 32], strides = [1, 1, 1]} : vector<512x4x32xf32> to vector<512x1x32xf32>
    %squeeze3A_13 = vector.shape_cast %slice3A_12 : vector<512x1x32xf32> to vector<512x32xf32>
    %concatenate3A = tpu.concatenate %squeeze3A, %squeeze3A_9, %squeeze3A_11, %squeeze3A_13 in 1 : vector<512x32xf32>, vector<512x32xf32>, vector<512x32xf32>, vector<512x32xf32> -> vector<512x128xf32>
    %swap3A = arith.constant 0 : index
    %swap3A_14 = arith.constant 0 : index
    %swap3A_15 = vector.load %arg3[%swap3A, %swap3A_14] : memref<512x128xf32, #tpu.memory_space<vmem>>, vector<512x128xf32>
    tpu.vector_store %arg3[%swap3A, %swap3A_14], %concatenate3A {strides = array<i32>} : memref<512x128xf32, #tpu.memory_space<vmem>>, vector<512x128xf32>,
    return
  }
  func.func @transform_0(%arg0: i32, %arg1: i32) -> (i32, i32, i32) {
    %c0_i32 = arith.constant 0 : i32
    %c0_i32_0 = arith.constant 0 : i32
    return %arg0, %c0_i32, %arg1 : i32, i32, i32
  }
  func.func @transform_1(%arg0: i32, %arg1: i32) -> (i32, i32) {
    %mul3A = arith.constant 49 : i32
    %mul3A_0 = arith.muli %arg0, %mul3A : i32
    %add3A = arith.addi %mul3A_0, %arg1 : i32
    %c0_i32 = arith.constant 0 : i32
    %c0_i32_1 = arith.constant 0 : i32
    return %add3A, %c0_i32 : i32, i32
  }
}

module attributes {stable_mosaic.version = 14 : i64} {
  func.func @_dense_body(%arg0: memref<4096x832xf32, #tpu.memory_space<vmem>>, %arg1: memref<4096x26xf32, #tpu.memory_space<vmem>>, %arg2: memref<4096x13xf32, #tpu.memory_space<vmem>>, %arg3: memref<1x39xf32, #tpu.memory_space<vmem>>, %arg4: memref<1x1xf32, #tpu.memory_space<vmem>>, %arg5: memref<832x512xf32, #tpu.memory_space<vmem>>, %arg6: memref<13x512xf32, #tpu.memory_space<vmem>>, %arg7: memref<1x512xf32, #tpu.memory_space<vmem>>, %arg8: memref<1x512xf32, #tpu.memory_space<vmem>>, %arg9: memref<1x512xf32, #tpu.memory_space<vmem>>, %arg10: memref<512x256xf32, #tpu.memory_space<vmem>>, %arg11: memref<1x256xf32, #tpu.memory_space<vmem>>, %arg12: memref<1x256xf32, #tpu.memory_space<vmem>>, %arg13: memref<1x256xf32, #tpu.memory_space<vmem>>, %arg14: memref<256x128xf32, #tpu.memory_space<vmem>>, %arg15: memref<1x128xf32, #tpu.memory_space<vmem>>, %arg16: memref<1x128xf32, #tpu.memory_space<vmem>>, %arg17: memref<1x128xf32, #tpu.memory_space<vmem>>, %arg18: memref<128x1xf32, #tpu.memory_space<vmem>>, %arg19: memref<1x1xf32, #tpu.memory_space<vmem>>, %arg20: memref<4096x1xf32, #tpu.memory_space<vmem>>) attributes {dimension_semantics = [], scalar_prefetch = 0 : i64, scratch_operands = 0 : i64, tpu.core_type = #tpu.core_type<tc>} {
    %get3A = arith.constant 0 : index
    %get3A_0 = arith.constant 0 : index
    %get3A_1 = vector.load %arg0[%get3A, %get3A_0] : memref<4096x832xf32, #tpu.memory_space<vmem>>, vector<4096x832xf32>
    %get3A_2 = arith.constant 0 : index
    %get3A_3 = arith.constant 0 : index
    %get3A_4 = vector.load %arg2[%get3A_2, %get3A_3] : memref<4096x13xf32, #tpu.memory_space<vmem>>, vector<4096x13xf32>
    %get3A_5 = arith.constant 0 : index
    %get3A_6 = arith.constant 0 : index
    %get3A_7 = vector.load %arg1[%get3A_5, %get3A_6] : memref<4096x26xf32, #tpu.memory_space<vmem>>, vector<4096x26xf32>
    %get3A_8 = arith.constant 0 : index
    %get3A_9 = arith.constant 0 : index
    %get3A_10 = vector.load %arg3[%get3A_8, %get3A_9] : memref<1x39xf32, #tpu.memory_space<vmem>>, vector<1x39xf32>
    %slice3A = vector.extract_strided_slice %get3A_10 {offsets = [0, 0], sizes = [1, 26], strides = [1, 1]} : vector<1x39xf32> to vector<1x26xf32>
    %mul3A = vector.broadcast %slice3A : vector<1x26xf32> to vector<4096x26xf32>
    %mul3A_11 = arith.mulf %get3A_7, %mul3A : vector<4096x26xf32>
    %reduce_sum3A = arith.constant dense<0.000000e+00> : vector<4096xf32>
    %reduce_sum3A_12 = vector.multi_reduction <add>, %mul3A_11, %reduce_sum3A [1] : vector<4096x26xf32> to vector<4096xf32>
    %broadcast_in_dim3A = vector.shape_cast %reduce_sum3A_12 : vector<4096xf32> to vector<4096x1xf32>
    %slice3A_13 = vector.extract_strided_slice %get3A_10 {offsets = [0, 26], sizes = [1, 13], strides = [1, 1]} : vector<1x39xf32> to vector<1x13xf32>
    %mul3A_14 = vector.broadcast %slice3A_13 : vector<1x13xf32> to vector<4096x13xf32>
    %mul3A_15 = arith.mulf %get3A_4, %mul3A_14 : vector<4096x13xf32>
    %reduce_sum3A_16 = arith.constant dense<0.000000e+00> : vector<4096xf32>
    %reduce_sum3A_17 = vector.multi_reduction <add>, %mul3A_15, %reduce_sum3A_16 [1] : vector<4096x13xf32> to vector<4096xf32>
    %broadcast_in_dim3A_18 = vector.shape_cast %reduce_sum3A_17 : vector<4096xf32> to vector<4096x1xf32>
    %add3A = arith.addf %broadcast_in_dim3A, %broadcast_in_dim3A_18 : vector<4096x1xf32>
    %get3A_19 = arith.constant 0 : index
    %get3A_20 = arith.constant 0 : index
    %get3A_21 = vector.load %arg4[%get3A_19, %get3A_20] : memref<1x1xf32, #tpu.memory_space<vmem>>, vector<1x1xf32>
    %add3A_22 = vector.broadcast %get3A_21 : vector<1x1xf32> to vector<4096x1xf32>
    %add3A_23 = arith.addf %add3A, %add3A_22 : vector<4096x1xf32>
    %iota3A = tpu.iota {dimensions = array<i32: 0>} : vector<832x32xi32>
    %iota3A_24 = tpu.iota {dimensions = array<i32: 1>} : vector<832x32xi32>
    %jit3A = arith.constant 32 : i32
    %eq3A = arith.constant 0 : i32
    %eq3A_25 = arith.cmpi eq, %jit3A, %eq3A : i32
    %jit3A_26 = arith.constant 1 : i32
    %select_n3A = arith.select %eq3A_25, %jit3A_26, %jit3A : i32
    %rem3A = vector.broadcast %select_n3A : i32 to vector<832x32xi32>
    %rem3A_27 = arith.remsi %iota3A, %rem3A : vector<832x32xi32>
    %ne3A = arith.constant 0 : i32
    %ne3A_28 = vector.broadcast %ne3A : i32 to vector<832x32xi32>
    %ne3A_29 = arith.cmpi ne, %rem3A_27, %ne3A_28 : vector<832x32xi32>
    %lt3A = arith.constant 0 : i32
    %lt3A_30 = vector.broadcast %lt3A : i32 to vector<832x32xi32>
    %lt3A_31 = arith.cmpi slt, %rem3A_27, %lt3A_30 : vector<832x32xi32>
    %lt3A_32 = arith.constant 0 : i32
    %lt3A_33 = arith.cmpi slt, %select_n3A, %lt3A_32 : i32
    %ne3A_34 = vector.broadcast %lt3A_33 : i1 to vector<832x32xi1>
    %ne3A_35 = vector.broadcast %ne3A_34 : vector<832x32xi1> to vector<832x32xi1>
    %ne3A_36 = arith.xori %lt3A_31, %ne3A_35 : vector<832x32xi1>
    %and3A = arith.andi %ne3A_36, %ne3A_29 : vector<832x32xi1>
    %add3A_37 = vector.broadcast %select_n3A : i32 to vector<832x32xi32>
    %add3A_38 = arith.addi %rem3A_27, %add3A_37 : vector<832x32xi32>
    %select_n3A_39 = arith.select %and3A, %add3A_38, %rem3A_27 : vector<832x32xi1>, vector<832x32xi32>
    %eq3A_40 = arith.cmpi eq, %select_n3A_39, %iota3A_24 : vector<832x32xi32>
    %jit3A_41 = arith.constant 1.000000e+00 : f32
    %jit3A_42 = arith.constant 0.000000e+00 : f32
    %broadcast_in_dim3A_43 = vector.broadcast %jit3A_41 : f32 to vector<832x32xf32>
    %broadcast_in_dim3A_44 = vector.broadcast %jit3A_42 : f32 to vector<832x32xf32>
    %select_n3A_45 = arith.select %eq3A_40, %broadcast_in_dim3A_43, %broadcast_in_dim3A_44 : vector<832x32xi1>, vector<832x32xf32>
    %dot_general3A = arith.constant dense<0.000000e+00> : vector<4096x32xf32>
    %dot_general3A_46 = tpu.matmul %get3A_1, %select_n3A_45, %dot_general3A {dimension_numbers = #tpu.dot_dimension_numbers<[1], [0], [0], [1], [0, 0, 1, 1], [], []>, transpose_lhs_hint = false} : vector<4096x832xf32>, vector<832x32xf32>, vector<4096x32xf32> -> vector<4096x32xf32>
    %mul3A_47 = arith.mulf %dot_general3A_46, %dot_general3A_46 : vector<4096x32xf32>
    %reduce_sum3A_48 = arith.constant dense<0.000000e+00> : vector<4096xf32>
    %reduce_sum3A_49 = vector.multi_reduction <add>, %mul3A_47, %reduce_sum3A_48 [1] : vector<4096x32xf32> to vector<4096xf32>
    %broadcast_in_dim3A_50 = vector.shape_cast %reduce_sum3A_49 : vector<4096xf32> to vector<4096x1xf32>
    %mul3A_51 = arith.mulf %get3A_1, %get3A_1 : vector<4096x832xf32>
    %reduce_sum3A_52 = arith.constant dense<0.000000e+00> : vector<4096xf32>
    %reduce_sum3A_53 = vector.multi_reduction <add>, %mul3A_51, %reduce_sum3A_52 [1] : vector<4096x832xf32> to vector<4096xf32>
    %broadcast_in_dim3A_54 = vector.shape_cast %reduce_sum3A_53 : vector<4096xf32> to vector<4096x1xf32>
    %sub3A = arith.subf %broadcast_in_dim3A_50, %broadcast_in_dim3A_54 : vector<4096x1xf32>
    %mul3A_55 = arith.constant 5.000000e-01 : f32
    %mul3A_56 = vector.broadcast %mul3A_55 : f32 to vector<4096x1xf32>
    %mul3A_57 = arith.mulf %mul3A_56, %sub3A : vector<4096x1xf32>
    %get3A_58 = arith.constant 0 : index
    %get3A_59 = arith.constant 0 : index
    %get3A_60 = vector.load %arg5[%get3A_58, %get3A_59] : memref<832x512xf32, #tpu.memory_space<vmem>>, vector<832x512xf32>
    %get3A_61 = arith.constant 0 : index
    %get3A_62 = arith.constant 0 : index
    %get3A_63 = vector.load %arg6[%get3A_61, %get3A_62] : memref<13x512xf32, #tpu.memory_space<vmem>>, vector<13x512xf32>
    %get3A_64 = arith.constant 0 : index
    %get3A_65 = arith.constant 0 : index
    %get3A_66 = vector.load %arg7[%get3A_64, %get3A_65] : memref<1x512xf32, #tpu.memory_space<vmem>>, vector<1x512xf32>
    %get3A_67 = arith.constant 0 : index
    %get3A_68 = arith.constant 0 : index
    %get3A_69 = vector.load %arg8[%get3A_67, %get3A_68] : memref<1x512xf32, #tpu.memory_space<vmem>>, vector<1x512xf32>
    %get3A_70 = arith.constant 0 : index
    %get3A_71 = arith.constant 0 : index
    %get3A_72 = vector.load %arg9[%get3A_70, %get3A_71] : memref<1x512xf32, #tpu.memory_space<vmem>>, vector<1x512xf32>
    %dot_general3A_73 = arith.constant dense<0.000000e+00> : vector<4096x512xf32>
    %dot_general3A_74 = tpu.matmul %get3A_1, %get3A_60, %dot_general3A_73 {dimension_numbers = #tpu.dot_dimension_numbers<[1], [0], [0], [1], [0, 0, 1, 1], [], []>, transpose_lhs_hint = false} : vector<4096x832xf32>, vector<832x512xf32>, vector<4096x512xf32> -> vector<4096x512xf32>
    %add3A_75 = vector.broadcast %get3A_66 : vector<1x512xf32> to vector<4096x512xf32>
    %add3A_76 = arith.addf %add3A_75, %dot_general3A_74 : vector<4096x512xf32>
    %dot_general3A_77 = arith.constant dense<0.000000e+00> : vector<4096x512xf32>
    %dot_general3A_78 = tpu.matmul %get3A_4, %get3A_63, %dot_general3A_77 {dimension_numbers = #tpu.dot_dimension_numbers<[1], [0], [0], [1], [0, 0, 1, 1], [], []>, transpose_lhs_hint = false} : vector<4096x13xf32>, vector<13x512xf32>, vector<4096x512xf32> -> vector<4096x512xf32>
    %add3A_79 = arith.addf %add3A_76, %dot_general3A_78 : vector<4096x512xf32>
    %reduce_sum3A_80 = arith.constant dense<0.000000e+00> : vector<512xf32>
    %reduce_sum3A_81 = vector.multi_reduction <add>, %add3A_79, %reduce_sum3A_80 [0] : vector<4096x512xf32> to vector<512xf32>
    %broadcast_in_dim3A_82 = vector.shape_cast %reduce_sum3A_81 : vector<512xf32> to vector<1x512xf32>
    %div3A = arith.constant 4.096000e+03 : f32
    %div3A_83 = vector.broadcast %div3A : f32 to vector<1x512xf32>
    %div3A_84 = arith.divf %broadcast_in_dim3A_82, %div3A_83 : vector<1x512xf32>
    %sub3A_85 = vector.broadcast %div3A_84 : vector<1x512xf32> to vector<4096x512xf32>
    %sub3A_86 = arith.subf %add3A_79, %sub3A_85 : vector<4096x512xf32>
    %sub3A_87 = vector.broadcast %div3A_84 : vector<1x512xf32> to vector<4096x512xf32>
    %sub3A_88 = arith.subf %add3A_79, %sub3A_87 : vector<4096x512xf32>
    %mul3A_89 = arith.mulf %sub3A_86, %sub3A_88 : vector<4096x512xf32>
    %reduce_sum3A_90 = arith.constant dense<0.000000e+00> : vector<512xf32>
    %reduce_sum3A_91 = vector.multi_reduction <add>, %mul3A_89, %reduce_sum3A_90 [0] : vector<4096x512xf32> to vector<512xf32>
    %broadcast_in_dim3A_92 = vector.shape_cast %reduce_sum3A_91 : vector<512xf32> to vector<1x512xf32>
    %div3A_93 = arith.constant 4.096000e+03 : f32
    %div3A_94 = vector.broadcast %div3A_93 : f32 to vector<1x512xf32>
    %div3A_95 = arith.divf %broadcast_in_dim3A_92, %div3A_94 : vector<1x512xf32>
    %sub3A_96 = vector.broadcast %div3A_84 : vector<1x512xf32> to vector<4096x512xf32>
    %sub3A_97 = arith.subf %add3A_79, %sub3A_96 : vector<4096x512xf32>
    %add3A_98 = arith.constant 9.99999974E-6 : f32
    %add3A_99 = vector.broadcast %add3A_98 : f32 to vector<1x512xf32>
    %add3A_100 = arith.addf %div3A_95, %add3A_99 : vector<1x512xf32>
    %rsqrt3A = math.rsqrt %add3A_100 : vector<1x512xf32>
    %mul3A_101 = vector.broadcast %rsqrt3A : vector<1x512xf32> to vector<4096x512xf32>
    %mul3A_102 = arith.mulf %sub3A_97, %mul3A_101 : vector<4096x512xf32>
    %mul3A_103 = vector.broadcast %get3A_69 : vector<1x512xf32> to vector<4096x512xf32>
    %mul3A_104 = arith.mulf %mul3A_102, %mul3A_103 : vector<4096x512xf32>
    %add3A_105 = vector.broadcast %get3A_72 : vector<1x512xf32> to vector<4096x512xf32>
    %add3A_106 = arith.addf %mul3A_104, %add3A_105 : vector<4096x512xf32>
    %max3A = arith.constant 0.000000e+00 : f32
    %max3A_107 = vector.broadcast %max3A : f32 to vector<4096x512xf32>
    %max3A_108 = arith.maximumf %add3A_106, %max3A_107 : vector<4096x512xf32>
    %get3A_109 = arith.constant 0 : index
    %get3A_110 = arith.constant 0 : index
    %get3A_111 = vector.load %arg10[%get3A_109, %get3A_110] : memref<512x256xf32, #tpu.memory_space<vmem>>, vector<512x256xf32>
    %get3A_112 = arith.constant 0 : index
    %get3A_113 = arith.constant 0 : index
    %get3A_114 = vector.load %arg11[%get3A_112, %get3A_113] : memref<1x256xf32, #tpu.memory_space<vmem>>, vector<1x256xf32>
    %get3A_115 = arith.constant 0 : index
    %get3A_116 = arith.constant 0 : index
    %get3A_117 = vector.load %arg12[%get3A_115, %get3A_116] : memref<1x256xf32, #tpu.memory_space<vmem>>, vector<1x256xf32>
    %get3A_118 = arith.constant 0 : index
    %get3A_119 = arith.constant 0 : index
    %get3A_120 = vector.load %arg13[%get3A_118, %get3A_119] : memref<1x256xf32, #tpu.memory_space<vmem>>, vector<1x256xf32>
    %dot_general3A_121 = arith.constant dense<0.000000e+00> : vector<4096x256xf32>
    %dot_general3A_122 = tpu.matmul %max3A_108, %get3A_111, %dot_general3A_121 {dimension_numbers = #tpu.dot_dimension_numbers<[1], [0], [0], [1], [0, 0, 1, 1], [], []>, transpose_lhs_hint = false} : vector<4096x512xf32>, vector<512x256xf32>, vector<4096x256xf32> -> vector<4096x256xf32>
    %add3A_123 = vector.broadcast %get3A_114 : vector<1x256xf32> to vector<4096x256xf32>
    %add3A_124 = arith.addf %add3A_123, %dot_general3A_122 : vector<4096x256xf32>
    %reduce_sum3A_125 = arith.constant dense<0.000000e+00> : vector<256xf32>
    %reduce_sum3A_126 = vector.multi_reduction <add>, %add3A_124, %reduce_sum3A_125 [0] : vector<4096x256xf32> to vector<256xf32>
    %broadcast_in_dim3A_127 = vector.shape_cast %reduce_sum3A_126 : vector<256xf32> to vector<1x256xf32>
    %div3A_128 = arith.constant 4.096000e+03 : f32
    %div3A_129 = vector.broadcast %div3A_128 : f32 to vector<1x256xf32>
    %div3A_130 = arith.divf %broadcast_in_dim3A_127, %div3A_129 : vector<1x256xf32>
    %sub3A_131 = vector.broadcast %div3A_130 : vector<1x256xf32> to vector<4096x256xf32>
    %sub3A_132 = arith.subf %add3A_124, %sub3A_131 : vector<4096x256xf32>
    %sub3A_133 = vector.broadcast %div3A_130 : vector<1x256xf32> to vector<4096x256xf32>
    %sub3A_134 = arith.subf %add3A_124, %sub3A_133 : vector<4096x256xf32>
    %mul3A_135 = arith.mulf %sub3A_132, %sub3A_134 : vector<4096x256xf32>
    %reduce_sum3A_136 = arith.constant dense<0.000000e+00> : vector<256xf32>
    %reduce_sum3A_137 = vector.multi_reduction <add>, %mul3A_135, %reduce_sum3A_136 [0] : vector<4096x256xf32> to vector<256xf32>
    %broadcast_in_dim3A_138 = vector.shape_cast %reduce_sum3A_137 : vector<256xf32> to vector<1x256xf32>
    %div3A_139 = arith.constant 4.096000e+03 : f32
    %div3A_140 = vector.broadcast %div3A_139 : f32 to vector<1x256xf32>
    %div3A_141 = arith.divf %broadcast_in_dim3A_138, %div3A_140 : vector<1x256xf32>
    %sub3A_142 = vector.broadcast %div3A_130 : vector<1x256xf32> to vector<4096x256xf32>
    %sub3A_143 = arith.subf %add3A_124, %sub3A_142 : vector<4096x256xf32>
    %add3A_144 = arith.constant 9.99999974E-6 : f32
    %add3A_145 = vector.broadcast %add3A_144 : f32 to vector<1x256xf32>
    %add3A_146 = arith.addf %div3A_141, %add3A_145 : vector<1x256xf32>
    %rsqrt3A_147 = math.rsqrt %add3A_146 : vector<1x256xf32>
    %mul3A_148 = vector.broadcast %rsqrt3A_147 : vector<1x256xf32> to vector<4096x256xf32>
    %mul3A_149 = arith.mulf %sub3A_143, %mul3A_148 : vector<4096x256xf32>
    %mul3A_150 = vector.broadcast %get3A_117 : vector<1x256xf32> to vector<4096x256xf32>
    %mul3A_151 = arith.mulf %mul3A_149, %mul3A_150 : vector<4096x256xf32>
    %add3A_152 = vector.broadcast %get3A_120 : vector<1x256xf32> to vector<4096x256xf32>
    %add3A_153 = arith.addf %mul3A_151, %add3A_152 : vector<4096x256xf32>
    %max3A_154 = arith.constant 0.000000e+00 : f32
    %max3A_155 = vector.broadcast %max3A_154 : f32 to vector<4096x256xf32>
    %max3A_156 = arith.maximumf %add3A_153, %max3A_155 : vector<4096x256xf32>
    %get3A_157 = arith.constant 0 : index
    %get3A_158 = arith.constant 0 : index
    %get3A_159 = vector.load %arg14[%get3A_157, %get3A_158] : memref<256x128xf32, #tpu.memory_space<vmem>>, vector<256x128xf32>
    %get3A_160 = arith.constant 0 : index
    %get3A_161 = arith.constant 0 : index
    %get3A_162 = vector.load %arg15[%get3A_160, %get3A_161] : memref<1x128xf32, #tpu.memory_space<vmem>>, vector<1x128xf32>
    %get3A_163 = arith.constant 0 : index
    %get3A_164 = arith.constant 0 : index
    %get3A_165 = vector.load %arg16[%get3A_163, %get3A_164] : memref<1x128xf32, #tpu.memory_space<vmem>>, vector<1x128xf32>
    %get3A_166 = arith.constant 0 : index
    %get3A_167 = arith.constant 0 : index
    %get3A_168 = vector.load %arg17[%get3A_166, %get3A_167] : memref<1x128xf32, #tpu.memory_space<vmem>>, vector<1x128xf32>
    %dot_general3A_169 = arith.constant dense<0.000000e+00> : vector<4096x128xf32>
    %dot_general3A_170 = tpu.matmul %max3A_156, %get3A_159, %dot_general3A_169 {dimension_numbers = #tpu.dot_dimension_numbers<[1], [0], [0], [1], [0, 0, 1, 1], [], []>, transpose_lhs_hint = false} : vector<4096x256xf32>, vector<256x128xf32>, vector<4096x128xf32> -> vector<4096x128xf32>
    %add3A_171 = vector.broadcast %get3A_162 : vector<1x128xf32> to vector<4096x128xf32>
    %add3A_172 = arith.addf %add3A_171, %dot_general3A_170 : vector<4096x128xf32>
    %reduce_sum3A_173 = arith.constant dense<0.000000e+00> : vector<128xf32>
    %reduce_sum3A_174 = vector.multi_reduction <add>, %add3A_172, %reduce_sum3A_173 [0] : vector<4096x128xf32> to vector<128xf32>
    %broadcast_in_dim3A_175 = vector.shape_cast %reduce_sum3A_174 : vector<128xf32> to vector<1x128xf32>
    %div3A_176 = arith.constant 4.096000e+03 : f32
    %div3A_177 = vector.broadcast %div3A_176 : f32 to vector<1x128xf32>
    %div3A_178 = arith.divf %broadcast_in_dim3A_175, %div3A_177 : vector<1x128xf32>
    %sub3A_179 = vector.broadcast %div3A_178 : vector<1x128xf32> to vector<4096x128xf32>
    %sub3A_180 = arith.subf %add3A_172, %sub3A_179 : vector<4096x128xf32>
    %sub3A_181 = vector.broadcast %div3A_178 : vector<1x128xf32> to vector<4096x128xf32>
    %sub3A_182 = arith.subf %add3A_172, %sub3A_181 : vector<4096x128xf32>
    %mul3A_183 = arith.mulf %sub3A_180, %sub3A_182 : vector<4096x128xf32>
    %reduce_sum3A_184 = arith.constant dense<0.000000e+00> : vector<128xf32>
    %reduce_sum3A_185 = vector.multi_reduction <add>, %mul3A_183, %reduce_sum3A_184 [0] : vector<4096x128xf32> to vector<128xf32>
    %broadcast_in_dim3A_186 = vector.shape_cast %reduce_sum3A_185 : vector<128xf32> to vector<1x128xf32>
    %div3A_187 = arith.constant 4.096000e+03 : f32
    %div3A_188 = vector.broadcast %div3A_187 : f32 to vector<1x128xf32>
    %div3A_189 = arith.divf %broadcast_in_dim3A_186, %div3A_188 : vector<1x128xf32>
    %sub3A_190 = vector.broadcast %div3A_178 : vector<1x128xf32> to vector<4096x128xf32>
    %sub3A_191 = arith.subf %add3A_172, %sub3A_190 : vector<4096x128xf32>
    %add3A_192 = arith.constant 9.99999974E-6 : f32
    %add3A_193 = vector.broadcast %add3A_192 : f32 to vector<1x128xf32>
    %add3A_194 = arith.addf %div3A_189, %add3A_193 : vector<1x128xf32>
    %rsqrt3A_195 = math.rsqrt %add3A_194 : vector<1x128xf32>
    %mul3A_196 = vector.broadcast %rsqrt3A_195 : vector<1x128xf32> to vector<4096x128xf32>
    %mul3A_197 = arith.mulf %sub3A_191, %mul3A_196 : vector<4096x128xf32>
    %mul3A_198 = vector.broadcast %get3A_165 : vector<1x128xf32> to vector<4096x128xf32>
    %mul3A_199 = arith.mulf %mul3A_197, %mul3A_198 : vector<4096x128xf32>
    %add3A_200 = vector.broadcast %get3A_168 : vector<1x128xf32> to vector<4096x128xf32>
    %add3A_201 = arith.addf %mul3A_199, %add3A_200 : vector<4096x128xf32>
    %max3A_202 = arith.constant 0.000000e+00 : f32
    %max3A_203 = vector.broadcast %max3A_202 : f32 to vector<4096x128xf32>
    %max3A_204 = arith.maximumf %add3A_201, %max3A_203 : vector<4096x128xf32>
    %get3A_205 = arith.constant 0 : index
    %get3A_206 = arith.constant 0 : index
    %get3A_207 = vector.load %arg18[%get3A_205, %get3A_206] : memref<128x1xf32, #tpu.memory_space<vmem>>, vector<128x1xf32>
    %dot_general3A_208 = arith.constant dense<0.000000e+00> : vector<4096x1xf32>
    %dot_general3A_209 = tpu.matmul %max3A_204, %get3A_207, %dot_general3A_208 {dimension_numbers = #tpu.dot_dimension_numbers<[1], [0], [0], [1], [0, 0, 1, 1], [], []>, transpose_lhs_hint = false} : vector<4096x128xf32>, vector<128x1xf32>, vector<4096x1xf32> -> vector<4096x1xf32>
    %get3A_210 = arith.constant 0 : index
    %get3A_211 = arith.constant 0 : index
    %get3A_212 = vector.load %arg19[%get3A_210, %get3A_211] : memref<1x1xf32, #tpu.memory_space<vmem>>, vector<1x1xf32>
    %add3A_213 = vector.broadcast %get3A_212 : vector<1x1xf32> to vector<4096x1xf32>
    %add3A_214 = arith.addf %dot_general3A_209, %add3A_213 : vector<4096x1xf32>
    %add3A_215 = arith.addf %add3A_23, %mul3A_57 : vector<4096x1xf32>
    %add3A_216 = arith.addf %add3A_215, %add3A_214 : vector<4096x1xf32>
    %logistic3A = arith.negf %add3A_216 : vector<4096x1xf32>
    %logistic3A_217 = math.exp %logistic3A : vector<4096x1xf32>
    %logistic3A_218 = arith.constant 1.000000e+00 : f32
    %logistic3A_219 = vector.broadcast %logistic3A_218 : f32 to vector<4096x1xf32>
    %logistic3A_220 = arith.addf %logistic3A_219, %logistic3A_217 : vector<4096x1xf32>
    %logistic3A_221 = arith.divf %logistic3A_219, %logistic3A_220 : vector<4096x1xf32>
    %swap3A = arith.constant 0 : index
    %swap3A_222 = arith.constant 0 : index
    %swap3A_223 = vector.load %arg20[%swap3A, %swap3A_222] : memref<4096x1xf32, #tpu.memory_space<vmem>>, vector<4096x1xf32>
    tpu.vector_store %arg20[%swap3A, %swap3A_222], %logistic3A_221 {strides = array<i32>} : memref<4096x1xf32, #tpu.memory_space<vmem>>, vector<4096x1xf32>,
    return
  }
}

</mosaic_0001>

<sc_bundles>
// kernel: kernel.5.cloned.1.call-start
scs
__scs_entry_jumppad:
0x0: {  	(pc) =	sbr.rel $0x88, $3  }
0x1: {  	(tag) =	ssettag $0x0;
	lr =	simm.s32 $0x1  }
0x2: {  	[smem:$0x3F8D] =	sst lr;
	_ =	strace $0xD0000000  }
0x3: {  	_ = 	snop  }
0x4: {  	_ = 	snop  }
0x5: {  	_ = 	snop  }
0x6: {  	_ = 	snop  }
0x7: {  	_ = 	snop  }
__scs_overlays_trampoline_lowered:
0x8: {  	[smem:$0x3F9C] =	sst s0  }
0x9: {  	[smem:$0x3F9D] =	sst s1  }
0xa: {  	[smem:$0x3F9E] =	sst s2  }
0xb: {  	[smem:$0x3F9F] =	sst s3  }
0xc: {  	[smem:$0x3FA0] =	sst s4  }
0xd: {  	[smem:$0x3FA1] =	sst s5  }
0xe: {  	[smem:$0x3FA2] =	sst s6  }
0xf: {  	[smem:$0x3FA3] =	sst s7  }
0x10: {  	[smem:$0x3FA4] =	sst s8  }
0x11: {  	[smem:$0x3FA5] =	sst s9;
	s0 =	simm.s32 @!p0 $0x0  }
0x12: {  	s1 =	sld [smem:$0x3F8B];
	s0 =	simm.s32 @p0 $0x1  }
0x13: {  	[smem:$0x3FA6] =	sst s0;
	s0 =	simm.s32 @!p1 $0x0  }
0x14: {  	s2 =	sld [smem:$0x3F8A];
	s0 =	simm.s32 @p1 $0x1  }
0x15: {  	[smem:$0x3FA7] =	sst s0;
	s0 =	simm.s32 @!p2 $0x0  }
0x16: {  	s3 =	sld [smem:$0x3FDB];
	s0 =	simm.s32 @p2 $0x1  }
0x17: {  	s4 =	simm.s32 $0x1BF5;
	[smem:$0x3FA9] =	sst s0  }
0x18: {  	s0 =	sld [smem:$0x3F8C];
	_ =	swait.ge [sflag:s4], $0x0  }
0x19: {  	s7 =	sld [smem:$0x3F8D]  }
0x1a: {  	s8 =	sadd.s32 $0xFFFFE003, lr  }
0x1b: {  	s9 =	sadd.s32 $0xFFFFFEF7, lr;
	s5 =	simm.s32 $0xFFFFFFFF;
	p2 =	slt.u32 s8, $0xFFFFF086  }
0x1c: {  	p1 =	slt.u32 s9, $0xF7A;
	s5 =	simm.s32 @!p2 $0x0  }
0x1d: {  	s5 =	simm.s32 @p1 $0x1;
	p0 =	seq.s32 s7, s2  }
0x1e: {  	s7 =	smul.u32 @!p0 $0xF7A, s2;
	p2 =	seq.s32 @!p0 s5, $0x0  }
0x1f: {  	s9 =	smul.u32 $0xF7A, s1;
	s8 =	simm.s32 @!p0 $0x1BF5;
	p2 =	por !p2, p0  }
0x20: {  	[sflag:s8] =	ssyncset.s32 @!p0 $0xFFFFF086;
	s6 =	sadd.s32 @!p0 s3, s7;
	s7 =	simm.s32 @!p0 $0x108  }
0x21: {  	s3 =	sadd.s32 s3, s9;
	s6 =	sadd.s32 @!p0 $0x88, s6;
	s7 =	simm.s32 @p2 $0x1082  }
0x22: {  	[simem:s7], [sflag:s8] =	dma.local @!p0 [hbm:s6], $0xF7A  }
0x23: {  	s9 =	sor.u32 $0xD0000000, s2;
	s6 =	simm.s32 $0x108;
	_ =	swait.ge @!p0 [sflag:s8], $0x0  }
0x24: {  	s3 =	sadd.s32 $0x88, s3;
	s6 =	simm.s32 @!p1 $0x1082;
	[sflag:s4] =	ssyncset.s32 $0xFFFFF086  }
0x25: {  	[simem:s6], [sflag:s4] =	dma.local [hbm:s3], $0xF7A  }
0x26: {  	[smem:$0x3F8D] =	sst s1;
	(tag) =	ssettag s2;
	_ =	strace s9  }
0x27: {  	s1 =	sld [smem:$0x3F9D]  }
0x28: {  	s2 =	sld [smem:$0x3F9E]  }
0x29: {  	s4 =	sld [smem:$0x3FA0]  }
0x2a: {  	p0 =	seq.s32 s5, $0x0;
	s5 =	sld [smem:$0x3FA1]  }
0x2b: {  	s6 =	sld [smem:$0x3FA2]  }
0x2c: {  	s7 =	sld [smem:$0x3FA3]  }
0x2d: {  	s3 =	simm.s32 $0x108;
	s8 =	sld [smem:$0x3FA4]  }
0x2e: {  	s3 =	simm.s32 @!p0 $0x1082;
	s9 =	sld [smem:$0x3FA5]  }
0x2f: {  	lr =	sadd.s32 s0, s3;
	s0 =	sld [smem:$0x3F9C]  }
0x30: {  	s3 =	sld [smem:$0x3F9F]  }
0x31: {  	[smem:$0x3FA8] =	sst s10  }
0x32: {  	s10 =	sld [smem:$0x3FA6];
	_ =	sdelay $0x3  }
0x33: {  	p0 =	seq.s32 s10, $0x1;
	s10 =	sld [smem:$0x3FA8];
	_ =	sdelay $0x3  }
0x34: {  	[smem:$0x3FA8] =	sst s10  }
0x35: {  	s10 =	sld [smem:$0x3FA7];
	_ =	sdelay $0x3  }
0x36: {  	p1 =	seq.s32 s10, $0x1;
	s10 =	sld [smem:$0x3FA8];
	_ =	sdelay $0x3  }
0x37: {  	[smem:$0x3FA8] =	sst s10  }
0x38: {  	s10 =	sld [smem:$0x3FA9]  }
0x39: {  	_ = 	snop;
	(pc) =	sbr.ind lr, $3  }
0x3a: {  	_ = 	snop  }
0x3b: {  	_ = 	snop  }
0x3c: {  	p2 =	seq.s32 s10, $0x1;
	s10 =	sld [smem:$0x3FA8]  }
0x3d: {  	_ =	shalt  }
0x3e: {  	_ =	shalt  }
0x3f: {  	_ =	shalt  }
0x40: {  	_ =	shalt  }
0x41: {  	_ =	shalt  }
0x42: {  	_ =	shalt  }
0x43: {  	_ =	shalt  }
0x44: {  	_ =	shalt  }
0x45: {  	_ =	shalt  }
0x46: {  	_ =	shalt  }
0x47: {  	_ =	shalt  }
0x48: {  	_ =	shalt  }
0x49: {  	_ =	shalt  }
0x4a: {  	_ =	shalt  }
0x4b: {  	_ =	shalt  }
0x4c: {  	_ =	shalt  }
0x4d: {  	_ =	shalt  }
0x4e: {  	_ =	shalt  }
0x4f: {  	_ =	shalt  }
0x50: {  	_ =	shalt  }
0x51: {  	_ =	shalt  }
0x52: {  	_ =	shalt  }
0x53: {  	_ =	shalt  }
0x54: {  	_ =	shalt  }
0x55: {  	_ =	shalt  }
0x56: {  	_ =	shalt  }
0x57: {  	_ =	shalt  }
0x58: {  	_ =	shalt  }
0x59: {  	_ =	shalt  }
0x5a: {  	_ =	shalt  }
0x5b: {  	_ =	shalt  }
0x5c: {  	_ =	shalt  }
0x5d: {  	_ =	shalt  }
0x5e: {  	_ =	shalt  }
0x5f: {  	_ =	shalt  }
0x60: {  	_ =	shalt  }
0x61: {  	_ =	shalt  }
0x62: {  	_ =	shalt  }
0x63: {  	_ =	shalt  }
0x64: {  	_ =	shalt  }
0x65: {  	_ =	shalt  }
0x66: {  	_ =	shalt  }
0x67: {  	_ =	shalt  }
0x68: {  	_ =	shalt  }
0x69: {  	_ =	shalt  }
0x6a: {  	_ =	shalt  }
0x6b: {  	_ =	shalt  }
0x6c: {  	_ =	shalt  }
0x6d: {  	_ =	shalt  }
0x6e: {  	_ =	shalt  }
0x6f: {  	_ =	shalt  }
0x70: {  	_ =	shalt  }
0x71: {  	_ =	shalt  }
0x72: {  	_ =	shalt  }
0x73: {  	_ =	shalt  }
0x74: {  	_ =	shalt  }
0x75: {  	_ =	shalt  }
0x76: {  	_ =	shalt  }
0x77: {  	_ =	shalt  }
0x78: {  	_ =	shalt  }
0x79: {  	_ =	shalt  }
0x7a: {  	_ =	shalt  }
0x7b: {  	_ =	shalt  }
0x7c: {  	_ =	shalt  }
0x7d: {  	_ =	shalt  }
0x7e: {  	_ =	shalt  }
0x7f: {  	_ =	shalt  }
0x80: {  	_ =	shalt  }
0x81: {  	_ =	shalt  }
0x82: {  	_ =	shalt  }
0x83: {  	_ =	shalt  }
0x84: {  	_ =	shalt  }
0x85: {  	_ =	shalt  }
0x86: {  	_ =	shalt  }
0x87: {  	_ =	shalt  }
.Lfunc_end0:
.L_simem_size_0:
called_computation_lowered:
.L_overlay_start_0:
0x88: {  	s2 =	sld [smem:$0x3FD9]  }
0x89: {  	s3 =	sld [smem:$0x3FFE];
	_ =	sdelay $0x1  }
0x8a: {  	s1 =	srdreg.scid  }
0x8b: {  	s0 =	sand.u32 $0x1, s1  }
0x8c: {  	s16 =	sshll.u32 s0, $0xA;
	s2 =	sadd.s32 s3, s2  }
0x8d: {  	s2 =	sadd.s32 s2, s16  }
0x8e: {  	[smem:$0x3FB4] =	sst s2  }
0x8f: {  	_ = 	snop  }
0x90: {  	(tm) =	ssettm $0x1  }
0x91: {  	s17 =	sld [smem:$0x3FFB];
	_ =	sdelay $0x3  }
0x92: {  	_ =	strace s17  }
0x93: {  	s2 =	sld [smem:$0x3FFC];
	_ =	sdelay $0x3  }
0x94: {  	_ =	strace s2  }
0x95: {  	s2 =	sld [smem:$0x3FFD];
	_ =	sdelay $0x3  }
0x96: {  	_ =	strace s2  }
0x97: {  	_ =	strace $0x8FFFFFFF  }
0x98: {  	s18 =	sld [smem:$0x3FDB];
	_ =	sdelay $0x1  }
0x99: {  	s19 =	simm.s32 $_scs_section_size  }
0x9a: {  	s4 =	simm.s32 $_size__tile_overlayer_lowered;
	s5 =	simm.s32 $_tile_overlayer_lowered  }
0x9b: {  	s22 =	simm.s32 $0x1BFF;
	s21 =	sshll.u32 s5, $0x1;
	s2 =	sadd.s32 s19, s18  }
0x9c: {  	s6 =	simm.s32 $0x0;
	s20 =	sshll.u32 s4, $0x1;
	s4 =	sadd.s32 s21, s2  }
0x9d: {  	[timem:s6], [sflag:s22] =	dma.local [hbm:s4], s20  }
0x9e: {  	_ =	swait.ge [sflag:s22], s20  }
0x9f: {  	s3 =	ssub.s32 $0x0, s20;
	[sflag:s22] =	ssyncset.done $0x0  }
0xa0: {  	[sflag:s22] =	ssyncadd.s32 s3;
	_ =	sdelay $0x1  }
0xa1: {  	s23 =	simm.s32 $0x1B8B  }
0xa2: {  	_ =	swait.ge [sflag:s23], $0x1  }
0xa3: {  	[sflag:s23] =	ssyncset.done $0x0  }
0xa4: {  	s25 =	simm.s32 $0x1B8E;
	s24 =	sld [smem:$0x3FFE];
	[sflag:s23] =	ssyncadd.s32 $0xFFFFFFFF  }
0xa5: {  	s26 =	simm.s32 $execute0_lowered;
	[smem:$0x3FD2] =	sst s25  }
0xa6: {  	s4 =	sshll.u32 s26, $0x1;
	_ =	strace $0x80000046;
	[dreg:$0x1] =	wrdreg $0xFFFFFFFF  }
0xa7: {  	s28 =	simm.s32 $_size_execute0_lowered;
	s2 =	sadd.s32 s2, s4;
	[dreg:$0x0] =	wrdreg $0x0  }
0xa8: {  	s4 =	sshll.u32 s28, $0x1;
	[dreg:$0x2] =	wrdreg s2  }
0xa9: {  	[dreg:$0x3] =	wrdreg s4  }
0xaa: {  	[dreg:$0x4] =	wrdreg $0xC0  }
0xab: {  	_ =	task [dreg:s6], $0x5FFFF  }
0xac: {  	[dreg:$0x1] =	wrdreg $0xFFFFFFFF  }
0xad: {  	[dreg:$0x0] =	wrdreg $0x60  }
0xae: {  	[dreg:$0x2] =	wrdreg s24  }
0xaf: {  	[dreg:$0x3] =	wrdreg $0x9  }
0xb0: {  	_ =	task.clear_ibuf [dreg:s6], $0x4FFFF;
	_ =	strace $0x90000046  }
0xb1: {  	s29 =	simm.s32 $0x9;
	_ =	strace $0x80000048  }
0xb2: {  	_ =	swait.ge [sflag:s29], $0x1  }
0xb3: {  	[sflag:s29] =	ssyncadd.s32 $0xFFFFFFFF  }
0xb4: {  	_ =	strace $0x90000048  }
0xb5: {  	_ =	sfence  }
0xb6: {  	s30 =	sld [smem:$0x0];
	_ =	sdelay $0x2  }
0xb7: {  	s31 =	sshll.u32 s1, $0xD;
	s1 =	sshrl.u32 s1, $0x2  }
0xb8: {  	s3 =	sand.u32 $0x4000, s31;
	s1 =	sadd.s32 s1, s30  }
0xb9: {  	s0 =	sor.u32 s3, s0;
	s1 =	sshll.u32 s1, $0x11  }
0xba: {  	s0 =	sor.u32 s1, s0  }
0xbb: {  	s0 =	sadd.s32 $0x8F2B, s0  }
0xbc: {  	[sflag:s0] =	ssyncadd.remote.s32 $0x1  }
0xbd: {  	_ =	sfence.sel $0xFFFF  }
0xbe: {  	[dreg:$0x0] =	wrdreg $0xFFFFFFFF;
	(pc) =	sbr.abs _section_cstart, $3  }
0xbf: {  	[dreg:$0x1] =	wrdreg $0xFFFFFFFF  }
0xc0: {  	_ =	task.clear_ibuf [dreg:s6], $0x2FFFF;
	_ =	strace $0x9FFFFFFF  }
0xc1: {  	(tm) =	ssettm $0x7FFFFFFF  }
tec
execute0_lowered:
.L_overlay_start_1:
0x0: {  	(tag) =	ssettag $0x1  }
0x1: {  	s1 =	srdreg.scid;
	s0 =	stileid.u32  }
0x2: {  	s5 =	rddreg [dreg:$0x0];
	s2 =	simm.s32 $0x0;
	s11 =	simm.s32 $0xD00  }
0x3: {  	s12 =	simm.s32 $0x80;
	s13 =	simm.s32 $0x1;
	s14 =	simm.s32 $0x2  }
0x4: {  	s15 =	simm.s32 $0x1A00;
	s16 =	simm.s32 $0x1BA00;
	s17 =	simm.s32 $0x0  }
0x5: {  	s6 =	sand.u32 $0x1, s1;
	s3 =	sshll.u32 s0, $0x1;
	s1 =	rddreg [dreg:$0x1]  }
0x6: {  	[smem:$0x7FF] =	sst s2;
	s4 =	sadd.s32 $0x9FBC00, s5;
	s3 =	sor.u32 s6, s3  }
0x7: {  	_ =	strace $0x80000047;
	s9 =	ssub.s32 $0x2, s6;
	s8 =	smul.u32 $0x1A0, s3  }
0x8: {  	s7 =	smul.u32 $0x3400, s3;
	s3 =	sadd.s32 $0x7C00, s5;
	s10 =	sshrl.u32 s9, $0x1  }
0x9: {  	s9 =	ssub.s32 s9, s10;
	s10 =	simm.s32 $0x3;
	s8 =	sadd.s32 s8, s5  }
0xa: {  	s7 =	sadd.s32 s7, s5;
	s5 =	sadd.s32 $0x4800, s8;
	s6 =	sadd.s32 $0x1400, s8  }
0xb: {  	s9 =	smax.u32 s9, $0x1;
	s7 =	sadd.s32 $0xA4B200, s7;
	s8 =	sadd.s32 $0xAB3200, s8  }
.LBB2_1:
0xc: {  	[tilespmem:s2], [sflag:$0x3] =	stream.linear.gather [hbm4b:s5+s2], $0xD00, $0x38;
	[tilespmem:$0x1C700] =	vst v63  }
0xd: {  	_ =	swait.ge [sflag:s10], $0xD00  }
0xe: {  	[sflag:s10] =	ssyncset.done $0x0  }
0xf: {  	[sflag:s10] =	ssyncadd.s32 $0xFFFFF300  }
0x10: {  	[tilespmem:s11], [sflag:$0x3] =	stream.linear.gather [hbm4b:s6+s2], $0xD00, $0x38;
	[tilespmem:$0x1C700] =	vst v63  }
0x11: {  	_ =	swait.ge [sflag:s10], $0xD00  }
0x12: {  	[sflag:s10] =	ssyncset.done $0x0  }
0x13: {  	s18 =	simm.s32 $0x0;
	s20 =	simm.s32 $0x1BA00;
	[sflag:s10] =	ssyncadd.s32 $0xFFFFF300  }
0x14: {  	[tilespmem:s15], [sflag:$0x1] =	stream.indirect.gather [hbm4b:s3+s12], $0x20, s18, s12, $0xb8;
	[tilespmem:$0x1C700] =	vst v63  }
0x15: {  	s21 =	simm.s32 $0xD00;
	s19 =	simm.s32 $0x2A00;
	s18 =	simm.s32 $0x200  }
.LBB2_2:
0x16: {  	[tilespmem:s20], [sflag:$0x2] =	stream.indirect.gather [hbm4b:s4+s12], $0x1, s21, s12, $0xb8;
	[tilespmem:$0x1C700] =	vst v63  }
0x17: {  	s20 =	smov.u32 s18;
	p0 =	sne.s32 s18, $0x3200  }
.Ltmp0:
0x18: {  	s18 =	sadd.s32 $0x200, s18;
	(pc) =	sbr.rel @p0 .LBB2_2-.Ltmp0, $4  }
0x19: {  	_ = 	snop  }
0x1a: {  	s21 =	sshra.s32 s20, $0x2  }
0x1b: {  	[tilespmem:s19], [sflag:$0x1] =	stream.indirect.gather [hbm4b:s3+s12], $0x20, s21, s12, $0xb8;
	[tilespmem:$0x1C700] =	vst v63  }
0x1c: {  	s20 =	sadd.s32 $0x1BA00, s21;
	s21 =	sadd.s32 $0xD00, s21;
	s19 =	sadd.s32 $0x1000, s19  }
0x1d: {  	[tilespmem:s20], [sflag:$0x2] =	stream.indirect.gather [hbm4b:s4+s12], $0x1, s21, s12, $0xb8;
	[tilespmem:$0x1C700] =	vst v63  }
0x1e: {  	_ =	swait.ge [sflag:s13], $0x1A000  }
0x1f: {  	[sflag:s13] =	ssyncset.done $0x0  }
0x20: {  	[sflag:s13] =	ssyncadd.s32 $0xFFFE6000  }
0x21: {  	_ =	swait.ge [sflag:s14], $0x80  }
0x22: {  	[sflag:s14] =	ssyncset.done $0x0  }
0x23: {  	[sflag:s14] =	ssyncadd.s32 $0xFFFFFF80  }
0x24: {  	_ =	swait.ge [sflag:s14], $0x80  }
0x25: {  	[sflag:s14] =	ssyncset.done $0x0  }
0x26: {  	[sflag:s14] =	ssyncadd.s32 $0xFFFFFF80  }
0x27: {  	_ =	swait.ge [sflag:s14], $0x80  }
0x28: {  	[sflag:s14] =	ssyncset.done $0x0  }
0x29: {  	[sflag:s14] =	ssyncadd.s32 $0xFFFFFF80  }
0x2a: {  	_ =	swait.ge [sflag:s14], $0x80  }
0x2b: {  	[sflag:s14] =	ssyncset.done $0x0  }
0x2c: {  	[sflag:s14] =	ssyncadd.s32 $0xFFFFFF80  }
0x2d: {  	_ =	swait.ge [sflag:s14], $0x80  }
0x2e: {  	[sflag:s14] =	ssyncset.done $0x0  }
0x2f: {  	[sflag:s14] =	ssyncadd.s32 $0xFFFFFF80  }
0x30: {  	_ =	swait.ge [sflag:s14], $0x80  }
0x31: {  	[sflag:s14] =	ssyncset.done $0x0  }
0x32: {  	[sflag:s14] =	ssyncadd.s32 $0xFFFFFF80  }
0x33: {  	_ =	swait.ge [sflag:s14], $0x80  }
0x34: {  	[sflag:s14] =	ssyncset.done $0x0  }
0x35: {  	[sflag:s14] =	ssyncadd.s32 $0xFFFFFF80  }
0x36: {  	_ =	swait.ge [sflag:s14], $0x80  }
0x37: {  	[sflag:s14] =	ssyncset.done $0x0  }
0x38: {  	[sflag:s14] =	ssyncadd.s32 $0xFFFFFF80  }
0x39: {  	_ =	swait.ge [sflag:s14], $0x80  }
0x3a: {  	[sflag:s14] =	ssyncset.done $0x0  }
0x3b: {  	[sflag:s14] =	ssyncadd.s32 $0xFFFFFF80  }
0x3c: {  	_ =	swait.ge [sflag:s14], $0x80  }
0x3d: {  	[sflag:s14] =	ssyncset.done $0x0  }
0x3e: {  	[sflag:s14] =	ssyncadd.s32 $0xFFFFFF80  }
0x3f: {  	_ =	swait.ge [sflag:s14], $0x80  }
0x40: {  	[sflag:s14] =	ssyncset.done $0x0  }
0x41: {  	[sflag:s14] =	ssyncadd.s32 $0xFFFFFF80  }
0x42: {  	_ =	swait.ge [sflag:s14], $0x80  }
0x43: {  	[sflag:s14] =	ssyncset.done $0x0  }
0x44: {  	[sflag:s14] =	ssyncadd.s32 $0xFFFFFF80  }
0x45: {  	_ =	swait.ge [sflag:s14], $0x80  }
0x46: {  	[sflag:s14] =	ssyncset.done $0x0  }
0x47: {  	[sflag:s14] =	ssyncadd.s32 $0xFFFFFF80  }
0x48: {  	_ =	swait.ge [sflag:s14], $0x80  }
0x49: {  	[sflag:s14] =	ssyncset.done $0x0  }
0x4a: {  	[sflag:s14] =	ssyncadd.s32 $0xFFFFFF80  }
0x4b: {  	_ =	swait.ge [sflag:s14], $0x80  }
0x4c: {  	[sflag:s14] =	ssyncset.done $0x0  }
0x4d: {  	[sflag:s14] =	ssyncadd.s32 $0xFFFFFF80  }
0x4e: {  	_ =	swait.ge [sflag:s14], $0x80  }
0x4f: {  	[sflag:s14] =	ssyncset.done $0x0  }
0x50: {  	[sflag:s14] =	ssyncadd.s32 $0xFFFFFF80  }
0x51: {  	_ =	swait.ge [sflag:s14], $0x80  }
0x52: {  	[sflag:s14] =	ssyncset.done $0x0  }
0x53: {  	[sflag:s14] =	ssyncadd.s32 $0xFFFFFF80  }
0x54: {  	_ =	swait.ge [sflag:s14], $0x80  }
0x55: {  	[sflag:s14] =	ssyncset.done $0x0  }
0x56: {  	[sflag:s14] =	ssyncadd.s32 $0xFFFFFF80  }
0x57: {  	_ =	swait.ge [sflag:s14], $0x80  }
0x58: {  	[sflag:s14] =	ssyncset.done $0x0  }
0x59: {  	[sflag:s14] =	ssyncadd.s32 $0xFFFFFF80  }
0x5a: {  	_ =	swait.ge [sflag:s14], $0x80  }
0x5b: {  	[sflag:s14] =	ssyncset.done $0x0  }
0x5c: {  	[sflag:s14] =	ssyncadd.s32 $0xFFFFFF80  }
0x5d: {  	_ =	swait.ge [sflag:s14], $0x80  }
0x5e: {  	[sflag:s14] =	ssyncset.done $0x0  }
0x5f: {  	[sflag:s14] =	ssyncadd.s32 $0xFFFFFF80  }
0x60: {  	_ =	swait.ge [sflag:s14], $0x80  }
0x61: {  	[sflag:s14] =	ssyncset.done $0x0  }
0x62: {  	[sflag:s14] =	ssyncadd.s32 $0xFFFFFF80  }
0x63: {  	_ =	swait.ge [sflag:s14], $0x80  }
0x64: {  	[sflag:s14] =	ssyncset.done $0x0  }
0x65: {  	[sflag:s14] =	ssyncadd.s32 $0xFFFFFF80  }
0x66: {  	_ =	swait.ge [sflag:s14], $0x80  }
0x67: {  	[sflag:s14] =	ssyncset.done $0x0  }
0x68: {  	[sflag:s14] =	ssyncadd.s32 $0xFFFFFF80  }
0x69: {  	_ =	swait.ge [sflag:s14], $0x80  }
0x6a: {  	[sflag:s14] =	ssyncset.done $0x0  }
0x6b: {  	[sflag:s14] =	ssyncadd.s32 $0xFFFFFF80  }
0x6c: {  	_ =	swait.ge [sflag:s14], $0x80  }
0x6d: {  	[sflag:s14] =	ssyncset.done $0x0  }
0x6e: {  	[sflag:s14] =	ssyncadd.s32 $0xFFFFFF80  }
0x6f: {  	[hbm4b:s7+s2] =	stream.linear.scatter [tilespmem:s15], [sflag:$0x3], $0x1A000, $0x38;
	[tilespmem:$0x1C700] =	vst v63  }
0x70: {  	s17 =	sadd.s32 $0x1, s17;
	_ =	swait.ge [sflag:s10], $0x1A000  }
0x71: {  	p0 =	sne.s32 s17, s9;
	[sflag:s10] =	ssyncset.done $0x0  }
.Ltmp1:
0x72: {  	[sflag:s10] =	ssyncadd.s32 $0xFFFE6000;
	(pc) =	sbr.rel @p0 .LBB2_1-.Ltmp1, $4  }
0x73: {  	[hbm4b:s8+s2] =	stream.linear.scatter [tilespmem:s16], [sflag:$0x3], $0xD00, $0x38;
	[tilespmem:$0x1C700] =	vst v63  }
0x74: {  	_ =	swait.ge [sflag:s10], $0xD00  }
0x75: {  	[sflag:s10] =	ssyncset.done $0x0  }
0x76: {  	[sflag:s10] =	ssyncadd.s32 $0xFFFFF300  }
0x77: {  	_ =	sfence.sel $0x180000  }
0x78: {  	[bflag:$0x0] =	sbarrier.arrive $0xFFFF  }
0x79: {  	p0 =	sne.s32 s0, $0x0;
	_ =	strace $0x90000047  }
0x7a: {  	s0 =	sadd.s32 @!p0 $0x100000, s1;
	[bflag:$0x2] =	sbarrier.arrive $0xFFFF  }
0x7b: {  	[sflag:s0] =	ssyncadd.tile.s32 @!p0 $0x1;
	_ =	shalt  }
.Lfunc_end2:
_tile_overlayer_lowered:
.L_overlay_start_2:
0x7c: {  	(tag) =	ssettag $0x2  }
0x7d: {  	s0 =	rddreg [dreg:$0x0];
	s2 =	stileid.u32  }
0x7e: {  	s1 =	rddreg [dreg:$0x1];
	p0 =	sne.s32 s2, $0x0  }
0x7f: {  	s3 =	rddreg [dreg:$0x2];
	[bflag:$0x3] =	sbarrier.arrive $0xFFFF;
	s2 =	simm.s32 @!p0 $0x1C03  }
0x80: {  	[timem:s3], [sflag:s2] =	dma.local @!p0 [hbm:s0], s1  }
0x81: {  	s0 =	simm.s32 @!p0 $0x3  }
0x82: {  	_ =	swait.ge @!p0 [sflag:s0], s1  }
0x83: {  	s1 =	ssub.s32 @!p0 $0x0, s1;
	[sflag:s0] =	ssyncset.done @!p0 $0x0  }
0x84: {  	[sflag:s0] =	ssyncadd.s32 @!p0 s1  }
0x85: {  	[bflag:$0x3] =	sbarrier.arrive $0xFFFF  }
0x86: {  	_ =	shalt  }

</sc_bundles>
